<compile_context>
chip_gen: v7x
topology: tpu7x:2x2x1
jax: 0.10.2.dev20260603
libtpu: 0.0.44.dev20260713+nightly
codegen_flags: <defaults>
</compile_context>

<pallas_src>
import jax
import jax.numpy as jnp
from jax.experimental import pallas as pl

_B, _T, _C_S1, _C_MASK, _H, _W = 32, 2, 3, 2, 256, 256
_G, _OUT_CH = 8, 16
_HW = _H * _W
_THRESH = 0.02 * (_H * _W)


def _body(s1_ref, lai_ref, mask_ref, glob_ref, wct_ref, wgt_ref, out_ref):
    s1 = s1_ref[0]
    lai = lai_ref[0]
    m = mask_ref[0]
    wct = wct_ref[...]
    wgt = wgt_ref[...]
    gcol = glob_ref[0]

    m0_t0 = m[0:1]
    m0_t1 = m[2:3]
    clouds0 = m0_t0 == 0.0
    clouds1 = m0_t1 == 0.0
    fill0 = jnp.logical_and(clouds0, jnp.logical_not(clouds1))
    fill1 = jnp.logical_and(clouds1, jnp.logical_not(clouds0))
    count0 = jnp.sum(fill0.astype(jnp.float32))
    count1 = jnp.sum(fill1.astype(jnp.float32))
    sel0 = count0 > _THRESH
    sel1 = count1 > _THRESH

    lai0 = jnp.where(jnp.logical_and(sel0, fill0), lai[1:2], lai[0:1])
    lai1 = jnp.where(jnp.logical_and(sel1, fill1), lai[0:1], lai[1:2])
    mask0 = jnp.where(jnp.logical_and(sel0, clouds0), m[2:4], m[0:2])
    mask1 = jnp.where(jnp.logical_and(sel1, clouds1), m[0:2], m[2:4])

    def dg(a, b):
        return jax.lax.dot_general(
            a, b, (((1,), (0,)), ((), ())),
            preferred_element_type=jnp.float32)

    acc = dg(wct[:, 0:3], s1[0:3])
    acc += dg(wct[:, 3:4], lai0)
    acc += dg(wct[:, 4:6], mask0)
    acc += dg(wct[:, 6:9], s1[3:6])
    acc += dg(wct[:, 9:10], lai1)
    acc += dg(wct[:, 10:12], mask1)
    bias = dg(wgt, gcol)
    out_ref[0] = acc + bias


def kernel(s1_data, in_lai, in_mask_lai, glob, W_conv, W_glob):
    s1f = s1_data.reshape(_B, _T * _C_S1, _HW)
    laif = in_lai.reshape(_B, _T, _HW)
    maskf = in_mask_lai.reshape(_B, _T * _C_MASK, _HW)
    globt = glob.reshape(_B, _G, 1)
    wct = W_conv.T
    wgt = W_glob.T

    out = pl.pallas_call(
        _body,
        grid=(_B,),
        in_specs=[
            pl.BlockSpec((1, _T * _C_S1, _HW), lambda b: (b, 0, 0)),
            pl.BlockSpec((1, _T, _HW), lambda b: (b, 0, 0)),
            pl.BlockSpec((1, _T * _C_MASK, _HW), lambda b: (b, 0, 0)),
            pl.BlockSpec((1, _G, 1), lambda b: (b, 0, 0)),
            pl.BlockSpec((_OUT_CH, _T * (_C_S1 + 1 + _C_MASK)), lambda b: (0, 0)),
            pl.BlockSpec((_OUT_CH, _G), lambda b: (0, 0)),
        ],
        out_specs=pl.BlockSpec((1, _OUT_CH, _HW), lambda b: (b, 0, 0)),
        out_shape=jax.ShapeDtypeStruct((_B, _OUT_CH, _HW), jnp.float32),
    )(s1f, laif, maskf, globt, wct, wgt)
    return out.reshape(_B, _OUT_CH, _H, _W)

# --- scband reference (transcript-rebuilt; emitter-appended) ---
"""Pipeline reference for scband-base-cloud-model-13262859010782 (READ-ONLY COPY).

The authoritative reference and input builder live on the scoring server;
editing this copy changes nothing except your own understanding.
"""

import jax, jax.numpy as jnp
import numpy as np

B, T, C_S1, C_MASK, H, W = 32, 2, 3, 2, 256, 256
G, OUT_CH = 8, 16
CLOUD_PROP = 0.02


def setup_inputs(seed: int = 0) -> dict:
    key = jax.random.key(seed)
    k1, k2, k3, k4, k5, k6 = jax.random.split(key, 6)
    s1_data = jax.random.normal(k1, (B, T, C_S1, H, W), dtype=jnp.float32)
    in_lai = jax.random.uniform(k2, (B, T, 1, H, W), dtype=jnp.float32) * 8.0
    in_mask_lai = jax.random.randint(k3, (B, T, C_MASK, H, W), 0, 2).astype(jnp.float32)
    glob = jax.random.normal(k4, (B, G), dtype=jnp.float32)
    W_conv = jax.random.normal(k5, (T * (C_S1 + 1 + C_MASK), OUT_CH), dtype=jnp.float32) * 0.05
    W_glob = jax.random.normal(k6, (G, OUT_CH), dtype=jnp.float32) * 0.05
    return {"s1_data": s1_data, "in_lai": in_lai, "in_mask_lai": in_mask_lai, "glob": glob, "W_conv": W_conv, "W_glob": W_glob}


def filter_cloud(in_mask_lai):
    clouds = in_mask_lai[:, :, 0] == 0
    clouds_xor = jnp.logical_xor(clouds[:, 0], clouds[:, 1])
    clouds_recoverable = jnp.concatenate([(clouds[:, 0] & clouds_xor)[:, None], (clouds[:, 1] & clouds_xor)[:, None]], axis=1)
    counts = jnp.sum(clouds_recoverable, axis=(2, 3))
    return counts > CLOUD_PROP * 256 ** 2


def process_cloud(lai_cloud, lai_other, mask_cloud, mask_other):
    # Concrete de-clouding: fill cloudy pixels from the other timestep where valid.
    cloud_px = mask_cloud[:, :1] == 0
    fillable = cloud_px & (mask_other[:, :1] != 0)
    out_lai = jnp.where(fillable, lai_other, lai_cloud)
    out_mask = jnp.where(cloud_px, mask_other, mask_cloud)
    return out_lai, out_mask


def base_model(s1_data, in_lai, in_mask_lai, glob, W_conv, W_glob):
    # Atom base model: pointwise (1x1) linear head over all channels + global-feature bias.
    feats = jnp.concatenate([s1_data, in_lai, in_mask_lai], axis=2)
    feats = feats.reshape(B, T * (C_S1 + 1 + C_MASK), H, W)
    out = jnp.einsum('bchw,co->bohw', feats, W_conv)
    out = out + (glob @ W_glob)[:, :, None, None]
    return out


def reference(s1_data, in_lai, in_mask_lai, glob, W_conv, W_glob):
    sel = filter_cloud(in_mask_lai)
    lai_cloud = in_lai.reshape(B * T, 1, H, W)
    lai_other = in_lai[:, ::-1].reshape(B * T, 1, H, W)
    mask_cloud = in_mask_lai.reshape(B * T, C_MASK, H, W)
    mask_other = in_mask_lai[:, ::-1].reshape(B * T, C_MASK, H, W)
    out_lai, out_mask = process_cloud(lai_cloud, lai_other, mask_cloud, mask_other)
    sel4 = sel.reshape(B * T, 1, 1, 1)
    in_lai = jnp.where(sel4, out_lai, lai_cloud).reshape(B, T, 1, H, W)
    in_mask_lai = jnp.where(sel4, out_mask, mask_cloud).reshape(B, T, C_MASK, H, W)
    return base_model(s1_data, in_lai, in_mask_lai, glob, W_conv, W_glob)

if __name__ == "__main__":
    import jax
    _d = setup_inputs()
    print(jax.jit(kernel)(*tuple(_d.values())))

</pallas_src>

<mosaic_0001>
module attributes {stable_mosaic.version = 14 : i64} {
  func.func @_body(%arg0: i32, %arg1: memref<1x6x65536xf32, #tpu.memory_space<vmem>>, %arg2: memref<1x2x65536xf32, #tpu.memory_space<vmem>>, %arg3: memref<1x4x65536xf32, #tpu.memory_space<vmem>>, %arg4: memref<1x8x1xf32, #tpu.memory_space<vmem>>, %arg5: memref<16x12xf32, #tpu.memory_space<vmem>>, %arg6: memref<16x8xf32, #tpu.memory_space<vmem>>, %arg7: memref<1x16x65536xf32, #tpu.memory_space<vmem>>) attributes {dimension_semantics = [#tpu.dimension_semantics<arbitrary>], iteration_bounds = array<i64: 32>, scalar_prefetch = 0 : i64, scratch_operands = 0 : i64, tpu.core_type = #tpu.core_type<tc>, window_params = [{transform_indices = @transform_0, window_bounds = array<i64: 1, 6, 65536>}, {transform_indices = @transform_1, window_bounds = array<i64: 1, 2, 65536>}, {transform_indices = @transform_2, window_bounds = array<i64: 1, 4, 65536>}, {transform_indices = @transform_3, window_bounds = array<i64: 1, 8, 1>}, {pipeline_mode = #tpu.pipeline_mode<synchronous>, transform_indices = @transform_4, window_bounds = array<i64: 16, 12>}, {pipeline_mode = #tpu.pipeline_mode<synchronous>, transform_indices = @transform_5, window_bounds = array<i64: 16, 8>}, {transform_indices = @transform_6, window_bounds = array<i64: 1, 16, 65536>}]} {
    %get3A = arith.constant 0 : index
    %get3A_0 = arith.constant 0 : index
    %get3A_1 = arith.constant 0 : index
    %get3A_2 = vector.load %arg1[%get3A, %get3A_0, %get3A_1] : memref<1x6x65536xf32, #tpu.memory_space<vmem>>, vector<1x6x65536xf32>
    %get3A_3 = vector.shape_cast %get3A_2 : vector<1x6x65536xf32> to vector<6x65536xf32>
    %get3A_4 = arith.constant 0 : index
    %get3A_5 = arith.constant 0 : index
    %get3A_6 = arith.constant 0 : index
    %get3A_7 = vector.load %arg2[%get3A_4, %get3A_5, %get3A_6] : memref<1x2x65536xf32, #tpu.memory_space<vmem>>, vector<1x2x65536xf32>
    %get3A_8 = vector.shape_cast %get3A_7 : vector<1x2x65536xf32> to vector<2x65536xf32>
    %get3A_9 = arith.constant 0 : index
    %get3A_10 = arith.constant 0 : index
    %get3A_11 = arith.constant 0 : index
    %get3A_12 = vector.load %arg3[%get3A_9, %get3A_10, %get3A_11] : memref<1x4x65536xf32, #tpu.memory_space<vmem>>, vector<1x4x65536xf32>
    %get3A_13 = vector.shape_cast %get3A_12 : vector<1x4x65536xf32> to vector<4x65536xf32>
    %get3A_14 = arith.constant 0 : index
    %get3A_15 = arith.constant 0 : index
    %get3A_16 = vector.load %arg5[%get3A_14, %get3A_15] : memref<16x12xf32, #tpu.memory_space<vmem>>, vector<16x12xf32>
    %get3A_17 = arith.constant 0 : index
    %get3A_18 = arith.constant 0 : index
    %get3A_19 = vector.load %arg6[%get3A_17, %get3A_18] : memref<16x8xf32, #tpu.memory_space<vmem>>, vector<16x8xf32>
    %get3A_20 = arith.constant 0 : index
    %get3A_21 = arith.constant 0 : index
    %get3A_22 = arith.constant 0 : index
    %get3A_23 = vector.load %arg4[%get3A_20, %get3A_21, %get3A_22] : memref<1x8x1xf32, #tpu.memory_space<vmem>>, vector<1x8x1xf32>
    %get3A_24 = vector.shape_cast %get3A_23 : vector<1x8x1xf32> to vector<8x1xf32>
    %slice3A = vector.extract_strided_slice %get3A_13 {offsets = [0, 0], sizes = [1, 65536], strides = [1, 1]} : vector<4x65536xf32> to vector<1x65536xf32>
    %slice3A_25 = vector.extract_strided_slice %get3A_13 {offsets = [2, 0], sizes = [1, 65536], strides = [1, 1]} : vector<4x65536xf32> to vector<1x65536xf32>
    %eq3A = arith.constant 0.000000e+00 : f32
    %eq3A_26 = vector.broadcast %eq3A : f32 to vector<1x65536xf32>
    %eq3A_27 = arith.cmpf oeq, %slice3A, %eq3A_26 : vector<1x65536xf32>
    %eq3A_28 = arith.constant 0.000000e+00 : f32
    %eq3A_29 = vector.broadcast %eq3A_28 : f32 to vector<1x65536xf32>
    %eq3A_30 = arith.cmpf oeq, %slice3A_25, %eq3A_29 : vector<1x65536xf32>
    %not3A = arith.constant dense<true> : vector<1x65536xi1>
    %not3A_31 = arith.xori %eq3A_30, %not3A : vector<1x65536xi1>
    %and3A = arith.andi %eq3A_27, %not3A_31 : vector<1x65536xi1>
    %not3A_32 = arith.constant dense<true> : vector<1x65536xi1>
    %not3A_33 = arith.xori %eq3A_27, %not3A_32 : vector<1x65536xi1>
    %and3A_34 = arith.andi %eq3A_30, %not3A_33 : vector<1x65536xi1>
    %convert_element_type3A = arith.extui %and3A : vector<1x65536xi1> to vector<1x65536xi32>
    %convert_element_type3A_35 = arith.sitofp %convert_element_type3A : vector<1x65536xi32> to vector<1x65536xf32>
    %reduce_sum3A = vector.shape_cast %convert_element_type3A_35 : vector<1x65536xf32> to vector<1x1x65536xf32>
    %reduce_sum3A_36 = arith.constant dense<0.000000e+00> : vector<1xf32>
    %reduce_sum3A_37 = vector.multi_reduction <add>, %reduce_sum3A, %reduce_sum3A_36 [1, 2] : vector<1x1x65536xf32> to vector<1xf32>
    %reduce_sum3A_38 = vector.shape_cast %reduce_sum3A_37 : vector<1xf32> to vector<1x1x1xf32>
    %reduce_sum3A_39 = vector.extract %reduce_sum3A_38[0, 0, 0] : f32 from vector<1x1x1xf32>
    %convert_element_type3A_40 = arith.extui %and3A_34 : vector<1x65536xi1> to vector<1x65536xi32>
    %convert_element_type3A_41 = arith.sitofp %convert_element_type3A_40 : vector<1x65536xi32> to vector<1x65536xf32>
    %reduce_sum3A_42 = vector.shape_cast %convert_element_type3A_41 : vector<1x65536xf32> to vector<1x1x65536xf32>
    %reduce_sum3A_43 = arith.constant dense<0.000000e+00> : vector<1xf32>
    %reduce_sum3A_44 = vector.multi_reduction <add>, %reduce_sum3A_42, %reduce_sum3A_43 [1, 2] : vector<1x1x65536xf32> to vector<1xf32>
    %reduce_sum3A_45 = vector.shape_cast %reduce_sum3A_44 : vector<1xf32> to vector<1x1x1xf32>
    %reduce_sum3A_46 = vector.extract %reduce_sum3A_45[0, 0, 0] : f32 from vector<1x1x1xf32>
    %gt3A = arith.constant 1.310720e+03 : f32
    %gt3A_47 = arith.cmpf ogt, %reduce_sum3A_39, %gt3A : f32
    %gt3A_48 = arith.constant 1.310720e+03 : f32
    %gt3A_49 = arith.cmpf ogt, %reduce_sum3A_46, %gt3A_48 : f32
    %and3A_50 = vector.broadcast %gt3A_47 : i1 to vector<1x65536xi1>
    %and3A_51 = arith.andi %and3A_50, %and3A : vector<1x65536xi1>
    %slice3A_52 = vector.extract_strided_slice %get3A_8 {offsets = [1, 0], sizes = [1, 65536], strides = [1, 1]} : vector<2x65536xf32> to vector<1x65536xf32>
    %slice3A_53 = vector.extract_strided_slice %get3A_8 {offsets = [0, 0], sizes = [1, 65536], strides = [1, 1]} : vector<2x65536xf32> to vector<1x65536xf32>
    %select_n3A = arith.select %and3A_51, %slice3A_52, %slice3A_53 : vector<1x65536xi1>, vector<1x65536xf32>
    %and3A_54 = vector.broadcast %gt3A_49 : i1 to vector<1x65536xi1>
    %and3A_55 = arith.andi %and3A_54, %and3A_34 : vector<1x65536xi1>
    %slice3A_56 = vector.extract_strided_slice %get3A_8 {offsets = [0, 0], sizes = [1, 65536], strides = [1, 1]} : vector<2x65536xf32> to vector<1x65536xf32>
    %slice3A_57 = vector.extract_strided_slice %get3A_8 {offsets = [1, 0], sizes = [1, 65536], strides = [1, 1]} : vector<2x65536xf32> to vector<1x65536xf32>
    %select_n3A_58 = arith.select %and3A_55, %slice3A_56, %slice3A_57 : vector<1x65536xi1>, vector<1x65536xf32>
    %and3A_59 = vector.broadcast %gt3A_47 : i1 to vector<1x65536xi1>
    %and3A_60 = arith.andi %and3A_59, %eq3A_27 : vector<1x65536xi1>
    %slice3A_61 = vector.extract_strided_slice %get3A_13 {offsets = [2, 0], sizes = [2, 65536], strides = [1, 1]} : vector<4x65536xf32> to vector<2x65536xf32>
    %slice3A_62 = vector.extract_strided_slice %get3A_13 {offsets = [0, 0], sizes = [2, 65536], strides = [1, 1]} : vector<4x65536xf32> to vector<2x65536xf32>
    %broadcast_in_dim3A = vector.shape_cast %and3A_60 : vector<1x65536xi1> to vector<1x65536xi1>
    %broadcast_in_dim3A_63 = vector.broadcast %broadcast_in_dim3A : vector<1x65536xi1> to vector<2x65536xi1>
    %select_n3A_64 = arith.select %broadcast_in_dim3A_63, %slice3A_61, %slice3A_62 : vector<2x65536xi1>, vector<2x65536xf32>
    %and3A_65 = vector.broadcast %gt3A_49 : i1 to vector<1x65536xi1>
    %and3A_66 = arith.andi %and3A_65, %eq3A_30 : vector<1x65536xi1>
    %slice3A_67 = vector.extract_strided_slice %get3A_13 {offsets = [0, 0], sizes = [2, 65536], strides = [1, 1]} : vector<4x65536xf32> to vector<2x65536xf32>
    %slice3A_68 = vector.extract_strided_slice %get3A_13 {offsets = [2, 0], sizes = [2, 65536], strides = [1, 1]} : vector<4x65536xf32> to vector<2x65536xf32>
    %broadcast_in_dim3A_69 = vector.shape_cast %and3A_66 : vector<1x65536xi1> to vector<1x65536xi1>
    %broadcast_in_dim3A_70 = vector.broadcast %broadcast_in_dim3A_69 : vector<1x65536xi1> to vector<2x65536xi1>
    %select_n3A_71 = arith.select %broadcast_in_dim3A_70, %slice3A_67, %slice3A_68 : vector<2x65536xi1>, vector<2x65536xf32>
    %slice3A_72 = vector.extract_strided_slice %get3A_16 {offsets = [0, 0], sizes = [16, 3], strides = [1, 1]} : vector<16x12xf32> to vector<16x3xf32>
    %slice3A_73 = vector.extract_strided_slice %get3A_3 {offsets = [0, 0], sizes = [3, 65536], strides = [1, 1]} : vector<6x65536xf32> to vector<3x65536xf32>
    %dot_general3A = arith.constant dense<0.000000e+00> : vector<16x65536xf32>
    %dot_general3A_74 = tpu.matmul %slice3A_72, %slice3A_73, %dot_general3A {dimension_numbers = #tpu.dot_dimension_numbers<[1], [0], [0], [1], [0, 0, 1, 1], [], []>, transpose_lhs_hint = false} : vector<16x3xf32>, vector<3x65536xf32>, vector<16x65536xf32> -> vector<16x65536xf32>
    %slice3A_75 = vector.extract_strided_slice %get3A_16 {offsets = [0, 3], sizes = [16, 1], strides = [1, 1]} : vector<16x12xf32> to vector<16x1xf32>
    %dot_general3A_76 = arith.constant dense<0.000000e+00> : vector<16x65536xf32>
    %dot_general3A_77 = tpu.matmul %slice3A_75, %select_n3A, %dot_general3A_76 {dimension_numbers = #tpu.dot_dimension_numbers<[1], [0], [0], [1], [0, 0, 1, 1], [], []>, transpose_lhs_hint = false} : vector<16x1xf32>, vector<1x65536xf32>, vector<16x65536xf32> -> vector<16x65536xf32>
    %add3A = arith.addf %dot_general3A_74, %dot_general3A_77 : vector<16x65536xf32>
    %slice3A_78 = vector.extract_strided_slice %get3A_16 {offsets = [0, 4], sizes = [16, 2], strides = [1, 1]} : vector<16x12xf32> to vector<16x2xf32>
    %dot_general3A_79 = arith.constant dense<0.000000e+00> : vector<16x65536xf32>
    %dot_general3A_80 = tpu.matmul %slice3A_78, %select_n3A_64, %dot_general3A_79 {dimension_numbers = #tpu.dot_dimension_numbers<[1], [0], [0], [1], [0, 0, 1, 1], [], []>, transpose_lhs_hint = false} : vector<16x2xf32>, vector<2x65536xf32>, vector<16x65536xf32> -> vector<16x65536xf32>
    %add3A_81 = arith.addf %add3A, %dot_general3A_80 : vector<16x65536xf32>
    %slice3A_82 = vector.extract_strided_slice %get3A_16 {offsets = [0, 6], sizes = [16, 3], strides = [1, 1]} : vector<16x12xf32> to vector<16x3xf32>
    %slice3A_83 = vector.extract_strided_slice %get3A_3 {offsets = [3, 0], sizes = [3, 65536], strides = [1, 1]} : vector<6x65536xf32> to vector<3x65536xf32>
    %dot_general3A_84 = arith.constant dense<0.000000e+00> : vector<16x65536xf32>
    %dot_general3A_85 = tpu.matmul %slice3A_82, %slice3A_83, %dot_general3A_84 {dimension_numbers = #tpu.dot_dimension_numbers<[1], [0], [0], [1], [0, 0, 1, 1], [], []>, transpose_lhs_hint = false} : vector<16x3xf32>, vector<3x65536xf32>, vector<16x65536xf32> -> vector<16x65536xf32>
    %add3A_86 = arith.addf %add3A_81, %dot_general3A_85 : vector<16x65536xf32>
    %slice3A_87 = vector.extract_strided_slice %get3A_16 {offsets = [0, 9], sizes = [16, 1], strides = [1, 1]} : vector<16x12xf32> to vector<16x1xf32>
    %dot_general3A_88 = arith.constant dense<0.000000e+00> : vector<16x65536xf32>
    %dot_general3A_89 = tpu.matmul %slice3A_87, %select_n3A_58, %dot_general3A_88 {dimension_numbers = #tpu.dot_dimension_numbers<[1], [0], [0], [1], [0, 0, 1, 1], [], []>, transpose_lhs_hint = false} : vector<16x1xf32>, vector<1x65536xf32>, vector<16x65536xf32> -> vector<16x65536xf32>
    %add3A_90 = arith.addf %add3A_86, %dot_general3A_89 : vector<16x65536xf32>
    %slice3A_91 = vector.extract_strided_slice %get3A_16 {offsets = [0, 10], sizes = [16, 2], strides = [1, 1]} : vector<16x12xf32> to vector<16x2xf32>
    %dot_general3A_92 = arith.constant dense<0.000000e+00> : vector<16x65536xf32>
    %dot_general3A_93 = tpu.matmul %slice3A_91, %select_n3A_71, %dot_general3A_92 {dimension_numbers = #tpu.dot_dimension_numbers<[1], [0], [0], [1], [0, 0, 1, 1], [], []>, transpose_lhs_hint = false} : vector<16x2xf32>, vector<2x65536xf32>, vector<16x65536xf32> -> vector<16x65536xf32>
    %add3A_94 = arith.addf %add3A_90, %dot_general3A_93 : vector<16x65536xf32>
    %dot_general3A_95 = arith.constant dense<0.000000e+00> : vector<16x1xf32>
    %dot_general3A_96 = tpu.matmul %get3A_19, %get3A_24, %dot_general3A_95 {dimension_numbers = #tpu.dot_dimension_numbers<[1], [0], [0], [1], [0, 0, 1, 1], [], []>, transpose_lhs_hint = false} : vector<16x8xf32>, vector<8x1xf32>, vector<16x1xf32> -> vector<16x1xf32>
    %add3A_97 = vector.broadcast %dot_general3A_96 : vector<16x1xf32> to vector<16x65536xf32>
    %add3A_98 = arith.addf %add3A_94, %add3A_97 : vector<16x65536xf32>
    %swap3A = arith.constant 0 : index
    %swap3A_99 = arith.constant 0 : index
    %swap3A_100 = arith.constant 0 : index
    %swap3A_101 = vector.load %arg7[%swap3A, %swap3A_99, %swap3A_100] : memref<1x16x65536xf32, #tpu.memory_space<vmem>>, vector<1x16x65536xf32>
    %swap3A_102 = vector.shape_cast %swap3A_101 : vector<1x16x65536xf32> to vector<16x65536xf32>
    %swap3A_103 = vector.shape_cast %add3A_98 : vector<16x65536xf32> to vector<1x16x65536xf32>
    tpu.vector_store %arg7[%swap3A, %swap3A_99, %swap3A_100], %swap3A_103 {strides = array<i32>} : memref<1x16x65536xf32, #tpu.memory_space<vmem>>, vector<1x16x65536xf32>,
    return
  }
  func.func @transform_0(%arg0: i32) -> (i32, i32, i32) {
    %c0_i32 = arith.constant 0 : i32
    %c0_i32_0 = arith.constant 0 : i32
    %c0_i32_1 = arith.constant 0 : i32
    return %arg0, %c0_i32, %c0_i32_0 : i32, i32, i32
  }
  func.func @transform_1(%arg0: i32) -> (i32, i32, i32) {
    %c0_i32 = arith.constant 0 : i32
    %c0_i32_0 = arith.constant 0 : i32
    %c0_i32_1 = arith.constant 0 : i32
    return %arg0, %c0_i32, %c0_i32_0 : i32, i32, i32
  }
  func.func @transform_2(%arg0: i32) -> (i32, i32, i32) {
    %c0_i32 = arith.constant 0 : i32
    %c0_i32_0 = arith.constant 0 : i32
    %c0_i32_1 = arith.constant 0 : i32
    return %arg0, %c0_i32, %c0_i32_0 : i32, i32, i32
  }
  func.func @transform_3(%arg0: i32) -> (i32, i32, i32) {
    %c0_i32 = arith.constant 0 : i32
    %c0_i32_0 = arith.constant 0 : i32
    %c0_i32_1 = arith.constant 0 : i32
    return %arg0, %c0_i32, %c0_i32_0 : i32, i32, i32
  }
  func.func @transform_4(%arg0: i32) -> (i32, i32) {
    %c0_i32 = arith.constant 0 : i32
    %c0_i32_0 = arith.constant 0 : i32
    %c0_i32_1 = arith.constant 0 : i32
    return %c0_i32, %c0_i32_0 : i32, i32
  }
  func.func @transform_5(%arg0: i32) -> (i32, i32) {
    %c0_i32 = arith.constant 0 : i32
    %c0_i32_0 = arith.constant 0 : i32
    %c0_i32_1 = arith.constant 0 : i32
    return %c0_i32, %c0_i32_0 : i32, i32
  }
  func.func @transform_6(%arg0: i32) -> (i32, i32, i32) {
    %c0_i32 = arith.constant 0 : i32
    %c0_i32_0 = arith.constant 0 : i32
    %c0_i32_1 = arith.constant 0 : i32
    return %arg0, %c0_i32, %c0_i32_0 : i32, i32, i32
  }
}

</mosaic_0001>

<sc_bundles>
// kernel: sparse-core-data-format-call.cloned.1.call-start
scs
called_computation_lowered:
.L_overlay_start_0:
0x0: {  	s2 =	sld [smem:$0x3FD9]  }
0x1: {  	s3 =	sld [smem:$0x3FFE];
	_ =	sdelay $0x1  }
0x2: {  	s1 =	srdreg.scid  }
0x3: {  	s0 =	sand.u32 $0x1, s1  }
0x4: {  	s18 =	sshll.u32 s0, $0xA;
	s2 =	sadd.s32 s3, s2  }
0x5: {  	s2 =	sadd.s32 s2, s18  }
0x6: {  	[smem:$0x3FC2] =	sst s2  }
0x7: {  	_ = 	snop  }
0x8: {  	s2 =	sld [smem:$0x3FD0];
	(tm) =	ssettm $0x1  }
0x9: {  	s19 =	sld [smem:$0x3FFB];
	_ =	sdelay $0x3  }
0xa: {  	_ =	strace s19  }
0xb: {  	s3 =	sld [smem:$0x3FFC];
	_ =	sdelay $0x3  }
0xc: {  	_ =	strace s3  }
0xd: {  	s3 =	sld [smem:$0x3FFD];
	_ =	sdelay $0x3  }
0xe: {  	_ =	strace s3  }
0xf: {  	_ =	strace $0x8FFFFFFF  }
0x10: {  	s20 =	sld [smem:$0x3FDB];
	_ =	sdelay $0x1  }
0x11: {  	s4 =	simm.s32 $_scs_section_size  }
0x12: {  	s5 =	simm.s32 $_size__tile_overlayer_lowered;
	s6 =	simm.s32 $_tile_overlayer_lowered  }
0x13: {  	s23 =	simm.s32 $0x1BFF;
	s22 =	sshll.u32 s6, $0x1;
	s3 =	sadd.s32 s4, s20  }
0x14: {  	s7 =	simm.s32 $0x0;
	s21 =	sshll.u32 s5, $0x1;
	s5 =	sadd.s32 s22, s3  }
0x15: {  	[timem:s7], [sflag:s23] =	dma.local [hbm:s5], s21  }
0x16: {  	_ =	swait.ge [sflag:s23], s21  }
0x17: {  	s4 =	ssub.s32 $0x0, s21;
	[sflag:s23] =	ssyncset.done $0x0  }
0x18: {  	[sflag:s23] =	ssyncadd.s32 s4;
	_ =	sdelay $0x1  }
0x19: {  	s24 =	simm.s32 $0x1B8B  }
0x1a: {  	_ =	swait.ge [sflag:s24], $0x1  }
0x1b: {  	[sflag:s24] =	ssyncset.done $0x0  }
0x1c: {  	s26 =	simm.s32 $0x1B8E;
	s25 =	sld [smem:$0x3FFE];
	[sflag:s24] =	ssyncadd.s32 $0xFFFFFFFF  }
0x1d: {  	s27 =	simm.s32 $execute0_lowered;
	[smem:$0x3FD2] =	sst s26  }
0x1e: {  	s5 =	sshll.u32 s27, $0x1;
	_ =	strace $0x80000046;
	[dreg:$0x1] =	wrdreg $0xFFFFFFFF  }
0x1f: {  	s28 =	simm.s32 $_size_execute0_lowered;
	s3 =	sadd.s32 s3, s5;
	[dreg:$0x0] =	wrdreg $0x0  }
0x20: {  	s5 =	sshll.u32 s28, $0x1;
	[dreg:$0x2] =	wrdreg s3  }
0x21: {  	[dreg:$0x3] =	wrdreg s5  }
0x22: {  	[dreg:$0x4] =	wrdreg $0xC0  }
0x23: {  	_ =	task [dreg:s7], $0x5FFFF  }
0x24: {  	[dreg:$0x1] =	wrdreg $0xFFFFFFFF  }
0x25: {  	[dreg:$0x0] =	wrdreg $0x60  }
0x26: {  	[dreg:$0x2] =	wrdreg s25  }
0x27: {  	[dreg:$0x3] =	wrdreg s2  }
0x28: {  	[dreg:$0x4] =	wrdreg $0x9  }
0x29: {  	_ =	task.clear_ibuf [dreg:s7], $0x5FFFF;
	_ =	strace $0x90000046  }
0x2a: {  	s29 =	simm.s32 $0x9;
	_ =	strace $0x80000048  }
0x2b: {  	_ =	swait.ge [sflag:s29], $0x1  }
0x2c: {  	[sflag:s29] =	ssyncadd.s32 $0xFFFFFFFF  }
0x2d: {  	_ =	strace $0x90000048  }
0x2e: {  	_ =	sfence  }
0x2f: {  	s30 =	sld [smem:$0x0];
	_ =	sdelay $0x2  }
0x30: {  	s31 =	sshll.u32 s1, $0xD;
	s1 =	sshrl.u32 s1, $0x2  }
0x31: {  	s3 =	sand.u32 $0x4000, s31;
	s1 =	sadd.s32 s1, s30  }
0x32: {  	s0 =	sor.u32 s3, s0;
	s1 =	sshll.u32 s1, $0x11  }
0x33: {  	s0 =	sor.u32 s1, s0  }
0x34: {  	s0 =	sadd.s32 $0x8F2B, s0  }
0x35: {  	[sflag:s0] =	ssyncadd.remote.s32 $0x1  }
0x36: {  	_ =	sfence.sel $0xFFFF  }
0x37: {  	[dreg:$0x0] =	wrdreg $0xFFFFFFFF;
	(pc) =	sbr.abs _section_cstart, $3  }
0x38: {  	[dreg:$0x1] =	wrdreg $0xFFFFFFFF  }
0x39: {  	_ =	task.clear_ibuf [dreg:s7], $0x2FFFF;
	_ =	strace $0x9FFFFFFF  }
0x3a: {  	(tm) =	ssettm $0x7FFFFFFF  }
0x3b: {  	_ =	shalt  }
tec
execute0_lowered:
.L_overlay_start_1:
0x0: {  	(tag) =	ssettag $0x1  }
0x1: {  	s1 =	rddreg [dreg:$0x0]  }
0x2: {  	s2 =	rddreg [dreg:$0x1]  }
0x3: {  	s0 =	rddreg [dreg:$0x2]  }
0x4: {  	_ =	strace $0x80000047;
	s4 =	srdreg.scid;
	s6 =	simm.s32 $0x2  }
0x5: {  	s11 =	simm.s32 $0x0;
	p0 =	por $0x0, $0x0;
	s7 =	simm.s32 $0x10000  }
.Ltmp0:
0x6: {  	s12 =	simm.s32 $0x0;
	s9 =	simm.s32 $0x0;
	(pc) =	sbr.rel .LBB1_1-.Ltmp0, $4  }
0x7: {  	s8 =	simm.s32 $0x0;
	s3 =	sadd.s32 $0x100400, s1;
	s5 =	sshll.u32 s4, $0x4  }
0x8: {  	s1 =	stileid.u32;
	s4 =	simm.s32 $0x1;
	s5 =	sand.u32 $0x10, s5  }
0x9: {  	s18 =	simm.s32 $0x0;
	[sflag:s4] =	ssyncpa.u1 $0x0;
	s5 =	sor.u32 s1, s5  }
0xa: {  	[sflag:s6] =	ssyncpa.u1 $0x0;
	s6 =	simm.s32 $0x800;
	s10 =	smov.u32 s5  }
.LBB1_7:
0xb: {  	s13 =	sadd.s32 $0x8, s9  }
0xc: {  	s11 =	sadd.s32 $0x20, s10;
	s15 =	smov.u32 s10;
	p2 =	sgt.s32 s13, $0xFF  }
0xd: {  	p1 =	slt.u32 s8, $0x2;
	s15 =	smov.u32 @p2 s11  }
0xe: {  	s8 =	sadd.s32 $0x1, s8;
	s13 =	simm.s32 @p2 $0x0;
	p2 =	sgt.s32 s15, $0x3F  }
0xf: {  	s15 =	smov.u32 @p2 s5;
	p2 =	sne.s32 s8, $0x42  }
.Ltmp1:
0x10: {  	_ = 	snop;
	(pc) =	sbr.rel @!p2 .LBB1_8-.Ltmp1, $4  }
0x11: {  	s14 =	simm.s32 @!p1 $0x2  }
0x12: {  	s12 =	smov.u32 s10;
	_ =	swait.ge @!p1 [sflag:s14], $0x4000  }
0x13: {  	p0 =	por !p0, !p0;
	s11 =	smov.u32 s9;
	[sflag:s14] =	ssyncset.done @!p1 $0x0  }
0x14: {  	s9 =	smov.u32 s13;
	[sflag:s14] =	ssyncadd.s32 @!p1 $0xFFFFC000;
	s10 =	smov.u32 s15  }
.LBB1_1:
0x15: {  	p1 =	sgt.u32 s8, $0x3F  }
0x16: {  	s13 =	sxor.u32 @!p1 $0xFFFFFFFF, s8;
	s14 =	sshll.u32 @!p1 s10, $0x10  }
0x17: {  	s15 =	sshll.u32 @!p1 s9, $0x8;
	s13 =	sshll.u32 @!p1 s13, $0xE;
	s14 =	sadd.s32 @!p1 s3, s14  }
0x18: {  	s13 =	sand.u32 @!p1 $0x4000, s13;
	s14 =	sadd.s32 @!p1 s15, s14;
	s15 =	simm.s32 @!p1 $0x0  }
0x19: {  	[tilespmem:s13], [sflag:$0x1] =	stream.linear.gather @!p1 [hbm4b:s14+s15], $0x4000, $0x38;
	[tilespmem:$0x10000] =	vst v63  }
0x1a: {  	p1 =	seq.s32 s8, $0x0  }
0x1b: {  	p2 =	seq.s32 @!p1 s8, $0x41  }
0x1c: {  	p1 =	por p1, p2  }
.Ltmp2:
0x1d: {  	_ = 	snop;
	(pc) =	sbr.rel @p1 .LBB1_7-.Ltmp2, $1  }
0x1e: {  	_ =	sdelay $0x3  }
0x1f: {  	s13 =	simm.s32 $0x1  }
0x20: {  	_ =	swait.ge [sflag:s4], $0x4000;
	s31 =	sshll.u32 s8, $0xE;
	p1 =	por $0x0, $0x0  }
0x21: {  	s19 =	simm.s32 $0x0;
	s20 =	simm.s32 $0x0;
	s13 =	simm.s32 @!p0 $0x0  }
0x22: {  	[sflag:s4] =	ssyncset.done $0x0;
	s16 =	sand.u32 $0x4000, s31;
	s13 =	sshll.u32 s13, $0x10  }
0x23: {  	[sflag:s4] =	ssyncadd.s32 $0xFFFFC000;
	s17 =	sshrl.u32 s13, $0x2;
	s13 =	sor.u32 $0x8000, s16  }
0x24: {  	s14 =	sor.u32 $0x40, s17;
	s15 =	sor.u32 $0x8410, s17;
	s17 =	sadd.s32 $0x8400, s17  }
.LBB1_3:
0x25: {  	v1 =	vld [tilespmem:s14+$0xFFFFFFD0]  }
0x26: {  	v2 =	vld [tilespmem:s14+$0x430]  }
0x27: {  	s21 =	sshll.u32 s20, $0xB;
	v4 =	vld [tilespmem:s14+$0xFFFFFFE0]  }
0x28: {  	v7 =	vld [tilespmem:s14+$0xFFFFFFF0];
	v0 =	vmov s21  }
0x29: {  	v8 =	vld [tilespmem:s14+$0x0]  }
0x2a: {  	s30 =	sand.u32 $0x300, s18;
	v9 =	vld [tilespmem:s14+$0x10]  }
0x2b: {  	s22 =	sand.u32 $0x80, s18;
	v10 =	vld [tilespmem:s14+$0x20];
	s21 =	sadd.s32 s30, s16  }
0x2c: {  	v11 =	vld [tilespmem:s14+$0x30];
	s21 =	sadd.s32 s22, s21;
	s22 =	simm.s32 $0x1;
	[tilespmem:s15+$0x60] =	vst v2  }
0x2d: {  	s31 =	sshll.u32 s19, $0x2;
	s22 =	simm.s32 @!p1 $0x0;
	[tilespmem:s15+$0xFFFFFC00] =	vst v1;
	v3 =	vld.idx.msk [tilespmem:v0+s21+$0x400 ss:$0x1], $0xffff  }
0x2e: {  	v6 =	vld [tilespmem:s14+$0x3D0];
	s22 =	sshll.u32 s22, $0x9;
	[tilespmem:s15+$0xFFFFFC10] =	vst v4;
	s21 =	sand.u32 $0xFFFFFC00, s31  }
0x2f: {  	v5 =	vld [tilespmem:s14+$0x3E0];
	[tilespmem:s15+$0xFFFFFC20] =	vst v7;
	s21 =	sor.u32 s22, s21  }
0x30: {  	[tilespmem:s15+$0xFFFFFC30] =	vst v8;
	v4 =	vld [tilespmem:s14+$0x400];
	s21 =	sshrl.u32 s21, $0x2  }
0x31: {  	[tilespmem:s15+$0xFFFFFC40] =	vst v9;
	v1 =	vld [tilespmem:s14+$0x410];
	s21 =	sadd.s32 s21, s17  }
0x32: {  	[tilespmem:s21+$0x0] =	vst v3;
	v3 =	vld [tilespmem:s14+$0x3F0]  }
0x33: {  	s25 =	simm.s32 $0x80;
	s24 =	simm.s32 $0x100;
	[tilespmem:s15+$0xFFFFFC50] =	vst v10;
	v2 =	vld [tilespmem:s14+$0x420]  }
0x34: {  	s23 =	smov.u32 s15;
	s26 =	sand.u32 $0x300, s25;
	v7 =	vld [tilespmem:s14+$0xFFFFFFC0];
	[tilespmem:s15+$0xFFFFFC60] =	vst v11;
	s22 =	sadd.s32 $0x80, s14  }
.LBB1_4:
0x35: {  	p2 =	sne.s32 s24, $0x380;
	v8 =	vld [tilespmem:s22+$0xFFFFFFD0];
	s25 =	sand.u32 $0x80, s25;
	s26 =	sadd.s32 s26, s16;
	[tilespmem:s23+$0x0] =	vst v6  }
0x36: {  	s26 =	sadd.s32 s25, s26;
	v6 =	vld [tilespmem:s22+$0x430];
	[tilespmem:s23+$0x10] =	vst v5;
	s25 =	smov.u32 s24  }
0x37: {  	v5 =	vld.idx.msk [tilespmem:v0+s26+$0x400 ss:$0x1], $0xffff;
	[tilespmem:s23+$0x20] =	vst v3  }
0x38: {  	v3 =	vld [tilespmem:s22+$0xFFFFFFE0];
	[tilespmem:s23+$0x30] =	vst v4  }
0x39: {  	v4 =	vld [tilespmem:s22+$0xFFFFFFF0];
	[tilespmem:s23+$0xFFFFFBF0] =	vst v7  }
0x3a: {  	v7 =	vld [tilespmem:s22+$0x0];
	[tilespmem:s23+$0x40] =	vst v1  }
0x3b: {  	v1 =	vld [tilespmem:s22+$0x10];
	[tilespmem:s23+$0x50] =	vst v2;
	s23 =	sadd.s32 $0x800, s23  }
0x3c: {  	s21 =	sadd.s32 $0x800, s21;
	v2 =	vld [tilespmem:s22+$0x20];
	[tilespmem:s23+$0x60] =	vst v6  }
0x3d: {  	v9 =	vld [tilespmem:s22+$0x30];
	[tilespmem:s21+$0x0] =	vst v5  }
0x3e: {  	[tilespmem:s23+$0xFFFFFC00] =	vst v8;
	v6 =	vld [tilespmem:s22+$0x3D0]  }
0x3f: {  	[tilespmem:s23+$0xFFFFFC10] =	vst v3;
	v5 =	vld [tilespmem:s22+$0x3E0]  }
.Ltmp3:
0x40: {  	[tilespmem:s23+$0xFFFFFC20] =	vst v4;
	v3 =	vld [tilespmem:s22+$0x3F0];
	(pc) =	sbr.rel @p2 .LBB1_4-.Ltmp3, $4  }
0x41: {  	[tilespmem:s23+$0xFFFFFC30] =	vst v7;
	v4 =	vld [tilespmem:s22+$0x400]  }
0x42: {  	[tilespmem:s23+$0xFFFFFC40] =	vst v1;
	v1 =	vld [tilespmem:s22+$0x410]  }
0x43: {  	[tilespmem:s23+$0xFFFFFC50] =	vst v2;
	v2 =	vld [tilespmem:s22+$0x420]  }
0x44: {  	s24 =	sadd.s32 $0x80, s24;
	s26 =	sand.u32 $0x300, s25;
	v7 =	vld [tilespmem:s22+$0xFFFFFFC0];
	[tilespmem:s23+$0xFFFFFC60] =	vst v9;
	s22 =	sadd.s32 $0x80, s22  }
0x45: {  	[tilespmem:s23+$0x0] =	vst v6  }
0x46: {  	[tilespmem:s23+$0x10] =	vst v5  }
0x47: {  	v49 =	vld [tilespmem:s22+$0x430];
	[tilespmem:s23+$0x20] =	vst v3  }
0x48: {  	v50 =	vld [tilespmem:s22+$0xFFFFFFD0];
	[tilespmem:s23+$0x30] =	vst v4  }
0x49: {  	v51 =	vld [tilespmem:s22+$0xFFFFFFE0];
	[tilespmem:s23+$0x40] =	vst v1  }
0x4a: {  	v52 =	vld [tilespmem:s22+$0xFFFFFFF0];
	[tilespmem:s23+$0x50] =	vst v2  }
0x4b: {  	s31 =	sadd.s32 $0x800, s23;
	v53 =	vld [tilespmem:s22+$0x0];
	[tilespmem:s23+$0xFFFFFBF0] =	vst v7  }
0x4c: {  	v54 =	vld [tilespmem:s22+$0x10];
	[tilespmem:s31+$0x60] =	vst v49  }
0x4d: {  	v55 =	vld [tilespmem:s22+$0x20];
	[tilespmem:s31+$0xFFFFFC00] =	vst v50  }
0x4e: {  	v56 =	vld [tilespmem:s22+$0x30];
	[tilespmem:s31+$0xFFFFFC10] =	vst v51  }
0x4f: {  	v57 =	vld [tilespmem:s22+$0x3D0];
	[tilespmem:s31+$0xFFFFFC20] =	vst v52  }
0x50: {  	v58 =	vld [tilespmem:s22+$0x3E0];
	[tilespmem:s31+$0xFFFFFC30] =	vst v53  }
0x51: {  	v59 =	vld [tilespmem:s22+$0x3F0];
	[tilespmem:s31+$0xFFFFFC40] =	vst v54  }
0x52: {  	v60 =	vld [tilespmem:s22+$0x400];
	[tilespmem:s31+$0xFFFFFC50] =	vst v55  }
0x53: {  	v61 =	vld [tilespmem:s22+$0xFFFFFFC0];
	[tilespmem:s31+$0xFFFFFC60] =	vst v56  }
0x54: {  	s24 =	sand.u32 $0x80, s25;
	s30 =	sadd.s32 s26, s16;
	v62 =	vld [tilespmem:s22+$0x410];
	[tilespmem:s31+$0x0] =	vst v57  }
0x55: {  	v63 =	vld [tilespmem:s22+$0x420];
	s20 =	sadd.s32 $0x1, s20;
	s24 =	sadd.s32 s24, s30;
	[tilespmem:s31+$0x10] =	vst v58  }
0x56: {  	p2 =	sne.s32 s20, $0x8;
	v0 =	vld.idx.msk [tilespmem:v0+s24+$0x400 ss:$0x1], $0xffff;
	[tilespmem:s31+$0x20] =	vst v59  }
.Ltmp4:
0x57: {  	[tilespmem:s31+$0x30] =	vst v60;
	(pc) =	sbr.rel @p2 .LBB1_3-.Ltmp4, $4  }
0x58: {  	[tilespmem:s31+$0xFFFFFBF0] =	vst v61  }
0x59: {  	[tilespmem:s31+$0x40] =	vst v62  }
0x5a: {  	s21 =	sadd.s32 $0x800, s21;
	s14 =	sadd.s32 $0x800, s14;
	[tilespmem:s31+$0x50] =	vst v63  }
0x5b: {  	s19 =	sadd.s32 $0x80, s19;
	p1 =	por !p1, !p1;
	s15 =	sadd.s32 $0x80, s15;
	[tilespmem:s21+$0x0] =	vst v0  }
0x5c: {  	s14 =	sshll.u32 s11, $0x8;
	s31 =	sshll.u32 s11, $0x7  }
.Ltmp5:
0x5d: {  	s14 =	sand.u32 $0xF800, s14;
	s11 =	sand.u32 $0x380, s31;
	(pc) =	sbr.rel .LBB1_7-.Ltmp5, $4  }
0x5e: {  	s12 =	sshll.u32 s12, $0x10;
	s11 =	sor.u32 s11, s14  }
0x5f: {  	s12 =	sadd.s32 s2, s12;
	s11 =	sshrl.u32 s11, $0x3  }
0x60: {  	s11 =	sadd.s32 s11, s12  }
0x61: {  	[hbm4b:s11+s6] =	stream.strided.scatter [tilespmem:s13], [sflag:$0x2], $0x4000, s7, s6, $0x38;
	[tilespmem:$0x10000] =	vst v63  }
.LBB1_8:
0x62: {  	_ =	sfence.sel $0x180000  }
0x63: {  	s2 =	simm.s32 $0x1;
	[bflag:$0x0] =	sbarrier.arrive $0xFFFF  }
0x64: {  	s31 =	simm.s32 $0x2;
	[sflag:s2] =	ssyncpa.u1 $0x1  }
0x65: {  	[sflag:s31] =	ssyncpa.u1 $0x1  }
0x66: {  	p0 =	sne.s32 s1, $0x0;
	_ =	strace $0x90000047  }
0x67: {  	s0 =	sadd.s32 @!p0 $0x100000, s0;
	[bflag:$0x2] =	sbarrier.arrive $0xFFFF  }
0x68: {  	[sflag:s0] =	ssyncadd.tile.s32 @!p0 $0x1;
	_ =	shalt  }
.Lfunc_end1:
_tile_overlayer_lowered:
.L_overlay_start_2:
0x69: {  	(tag) =	ssettag $0x2  }
0x6a: {  	s0 =	rddreg [dreg:$0x0];
	s2 =	stileid.u32  }
0x6b: {  	s1 =	rddreg [dreg:$0x1];
	p0 =	sne.s32 s2, $0x0  }
0x6c: {  	s3 =	rddreg [dreg:$0x2];
	[bflag:$0x3] =	sbarrier.arrive $0xFFFF;
	s2 =	simm.s32 @!p0 $0x1C01  }
0x6d: {  	[timem:s3], [sflag:s2] =	dma.local @!p0 [hbm:s0], s1  }
0x6e: {  	s0 =	simm.s32 @!p0 $0x1  }
0x6f: {  	_ =	swait.ge @!p0 [sflag:s0], s1  }
0x70: {  	s1 =	ssub.s32 @!p0 $0x0, s1;
	[sflag:s0] =	ssyncset.done @!p0 $0x0  }
0x71: {  	[sflag:s0] =	ssyncadd.s32 @!p0 s1  }
0x72: {  	[bflag:$0x3] =	sbarrier.arrive $0xFFFF  }
0x73: {  	_ =	shalt  }

</sc_bundles>
